<compile_context>
chip_gen: v7x
topology: tpu7x:2x2x1
jax: 0.10.2.dev20260603
libtpu: 0.0.44.dev20260713+nightly
codegen_flags: <defaults>
</compile_context>

<pallas_src>
import functools

import jax
import jax.numpy as jnp
from jax import lax
from jax.experimental import pallas as pl
from jax.experimental.pallas import tpu as pltpu
from jax.experimental.pallas import tpu_sc as plsc

HEAD_DIM = 64
TABLE_ROWS = 15 * 15
BATCH = 64 * 64

_info = plsc.get_sparse_core_info()
_NC, _NS, _L = _info.num_cores, _info.num_subcores, _info.num_lanes
_NW = _NC * _NS
_B_PER_W = BATCH // _NW


def _sc_gather(table, rows, cols):
    mesh = plsc.VectorSubcoreMesh(core_axis_name="c", subcore_axis_name="s")

    @functools.partial(
        pl.kernel,
        mesh=mesh,
        out_type=jax.ShapeDtypeStruct((BATCH, HEAD_DIM), jnp.float32),
        compiler_params=pltpu.CompilerParams(use_tc_tiling_on_sc=False),
        scratch_types=[
            pltpu.VMEM((_B_PER_W,), jnp.int32),
            pltpu.VMEM((_B_PER_W,), jnp.int32),
            pltpu.VMEM((_B_PER_W,), jnp.int32),
            pltpu.VMEM((_B_PER_W, HEAD_DIM), jnp.float32),
            pltpu.SemaphoreType.DMA,
        ],
    )
    def k(table_hbm, row_hbm, col_hbm, out_hbm, row_v, col_v, idx_v, rows_v, sem):
        wid = lax.axis_index("s") * _NC + lax.axis_index("c")
        base = wid * _B_PER_W
        pltpu.sync_copy(row_hbm.at[pl.ds(base, _B_PER_W)], row_v)
        pltpu.sync_copy(col_hbm.at[pl.ds(base, _B_PER_W)], col_v)
        for i in range(_B_PER_W // _L):
            sl = pl.ds(i * _L, _L)
            idx_v[sl] = row_v[sl] * 15 + col_v[sl]
        pltpu.async_copy(table_hbm.at[idx_v], rows_v, sem).wait()
        pltpu.sync_copy(rows_v, out_hbm.at[pl.ds(base, _B_PER_W)])

    return k(table, rows, cols)


def kernel(embeddings, row_distances, col_distances):
    table = embeddings.reshape(TABLE_ROWS, HEAD_DIM)
    rows = row_distances.reshape(BATCH).astype(jnp.int32)
    cols = col_distances.reshape(BATCH).astype(jnp.int32)
    out = _sc_gather(table, rows, cols)
    return out.reshape(64, 64, HEAD_DIM)

# --- scband reference (transcript-rebuilt; emitter-appended) ---
"""Pipeline reference for scband-relative-position-67345087201605 (READ-ONLY COPY).

The authoritative reference and input builder live on the scoring server;
editing this copy changes nothing except your own understanding.
"""

import jax, jax.numpy as jnp
import numpy as np

HEAD_DIM = 64
XAVIER_GAIN = 1.0


def _build_index_buffers():
    range_vec = jnp.arange(8)
    distance_matrix = (range_vec[None, :] - range_vec[:, None]).astype(jnp.int64) + 7
    # repeat_interleave along dim 0 then dim 1 -> [64, 64]
    row_distances = jnp.repeat(jnp.repeat(distance_matrix, 8, axis=0), 8, axis=1)
    # .repeat(8, 8) in torch == tile
    col_distances = jnp.tile(distance_matrix, (8, 8))
    return row_distances, col_distances


def setup_inputs(seed: int = 0) -> dict:
    key = jax.random.key(seed)
    # torch xavier_uniform_ on a [15, 15, head_dim] tensor:
    #   fan_in  = shape[1] * prod(shape[2:]) = 15 * HEAD_DIM
    #   fan_out = shape[0] * prod(shape[2:]) = 15 * HEAD_DIM
    fan_in = 15 * HEAD_DIM
    fan_out = 15 * HEAD_DIM
    bound = XAVIER_GAIN * np.sqrt(6.0 / (fan_in + fan_out))
    embeddings = jax.random.uniform(key, (15, 15, HEAD_DIM), dtype=jnp.float32,
                                    minval=-bound, maxval=bound)
    row_distances, col_distances = _build_index_buffers()
    return {
        "embeddings": embeddings,
        "row_distances": row_distances,
        "col_distances": col_distances,
    }


def reference(embeddings, row_distances, col_distances) -> jnp.ndarray:
    # Fancy-index gather: embeddings[row_distances, col_distances] -> [64, 64, HEAD_DIM]
    return embeddings[row_distances, col_distances]

if __name__ == "__main__":
    import jax
    _d = setup_inputs()
    print(jax.jit(kernel)(*tuple(_d.values())))

</pallas_src>

<mosaic_0001>
#map = affine_map<(d0, d1) -> (0, 0)>
#map1 = affine_map<(d0, d1) -> (0)>
module attributes {stable_mosaic.version = 14 : i64} {
  func.func @k(%arg0: i32, %arg1: i32, %arg2: memref<225x64xf32, #tpu.memory_space<hbm>>, %arg3: memref<4096xi32, #tpu.memory_space<hbm>>, %arg4: memref<4096xi32, #tpu.memory_space<hbm>>, %arg5: memref<4096x64xf32, #tpu.memory_space<hbm>>, %arg6: memref<128xi32, #tpu.memory_space<vmem>>, %arg7: memref<128xi32, #tpu.memory_space<vmem>>, %arg8: memref<128xi32, #tpu.memory_space<vmem>>, %arg9: memref<128x64xf32, #tpu.memory_space<vmem>>, %arg10: memref<!tpu.dma_semaphore, #tpu.memory_space<semaphore_mem>>) attributes {dimension_semantics = [#tpu.dimension_semantics<core_parallel>, #tpu.dimension_semantics<subcore_parallel>], iteration_bounds = array<i64: 2, 16>, scalar_prefetch = 0 : i64, scratch_operands = 5 : i64, tpu.core_type = #tpu.core_type<sc_vector_subcore>, window_params = [{transform_indices = #map}, {transform_indices = #map1}, {transform_indices = #map1}, {transform_indices = #map}]} {
    %mul3A = arith.constant 2 : i32
    %mul3A_0 = arith.muli %arg1, %mul3A : i32
    %add3A = arith.addi %mul3A_0, %arg0 : i32
    %mul3A_1 = arith.constant 128 : i32
    %mul3A_2 = arith.muli %add3A, %mul3A_1 : i32
    "tpu.region"() ({
      %run_scoped3A = tpu.sem_alloc : memref<!tpu.dma_semaphore, #tpu.memory_space<semaphore_mem>>
      %dma_start3A_117 = tpu.memref_slice %arg3[%mul3A_2] : memref<4096xi32, #tpu.memory_space<hbm>> -> memref<128xi32, #tpu.memory_space<hbm>>
      %dma_start3A_118 = tpu.memref_slice %arg3[%mul3A_2] : memref<4096xi32, #tpu.memory_space<hbm>> -> memref<128xi32, #tpu.memory_space<hbm>>
      tpu.enqueue_dma source(%dma_start3A_118 : memref<128xi32, #tpu.memory_space<hbm>>) target(%arg6 : memref<128xi32, #tpu.memory_space<vmem>>) target_semaphore(%run_scoped3A : memref<!tpu.dma_semaphore, #tpu.memory_space<semaphore_mem>>)
      %dma_wait3A_119 = tpu.memref_slice %arg3[%mul3A_2] : memref<4096xi32, #tpu.memory_space<hbm>> -> memref<128xi32, #tpu.memory_space<hbm>>
      %dma_wait3A_120 = tpu.memref_slice %arg3[%mul3A_2] : memref<4096xi32, #tpu.memory_space<hbm>> -> memref<128xi32, #tpu.memory_space<hbm>>
      tpu.wait_dma2 semaphore(%run_scoped3A : memref<!tpu.dma_semaphore, #tpu.memory_space<semaphore_mem>>) src(%dma_wait3A_120 : memref<128xi32, #tpu.memory_space<hbm>>) dst(%arg6 : memref<128xi32, #tpu.memory_space<vmem>>)
      tpu.yield
    }) : () -> ()
    "tpu.region"() ({
      %run_scoped3A = tpu.sem_alloc : memref<!tpu.dma_semaphore, #tpu.memory_space<semaphore_mem>>
      %dma_start3A_117 = tpu.memref_slice %arg4[%mul3A_2] : memref<4096xi32, #tpu.memory_space<hbm>> -> memref<128xi32, #tpu.memory_space<hbm>>
      %dma_start3A_118 = tpu.memref_slice %arg4[%mul3A_2] : memref<4096xi32, #tpu.memory_space<hbm>> -> memref<128xi32, #tpu.memory_space<hbm>>
      tpu.enqueue_dma source(%dma_start3A_118 : memref<128xi32, #tpu.memory_space<hbm>>) target(%arg7 : memref<128xi32, #tpu.memory_space<vmem>>) target_semaphore(%run_scoped3A : memref<!tpu.dma_semaphore, #tpu.memory_space<semaphore_mem>>)
      %dma_wait3A_119 = tpu.memref_slice %arg4[%mul3A_2] : memref<4096xi32, #tpu.memory_space<hbm>> -> memref<128xi32, #tpu.memory_space<hbm>>
      %dma_wait3A_120 = tpu.memref_slice %arg4[%mul3A_2] : memref<4096xi32, #tpu.memory_space<hbm>> -> memref<128xi32, #tpu.memory_space<hbm>>
      tpu.wait_dma2 semaphore(%run_scoped3A : memref<!tpu.dma_semaphore, #tpu.memory_space<semaphore_mem>>) src(%dma_wait3A_120 : memref<128xi32, #tpu.memory_space<hbm>>) dst(%arg7 : memref<128xi32, #tpu.memory_space<vmem>>)
      tpu.yield
    }) : () -> ()
    %get3A = arith.constant 0 : index
    %get3A_3 = tpu.vector_load %arg6[%get3A] {strides = array<i32>} : memref<128xi32, #tpu.memory_space<vmem>>, vector<16xi32>,
    %get3A_4 = vector.shape_cast %get3A_3 : vector<16xi32> to vector<16xi32>
    %mul3A_5 = arith.constant 15 : i32
    %mul3A_6 = vector.broadcast %mul3A_5 : i32 to vector<16xi32>
    %mul3A_7 = arith.muli %get3A_4, %mul3A_6 : vector<16xi32>
    %get3A_8 = arith.constant 0 : index
    %get3A_9 = tpu.vector_load %arg7[%get3A_8] {strides = array<i32>} : memref<128xi32, #tpu.memory_space<vmem>>, vector<16xi32>,
    %get3A_10 = vector.shape_cast %get3A_9 : vector<16xi32> to vector<16xi32>
    %add3A_11 = arith.addi %mul3A_7, %get3A_10 : vector<16xi32>
    %swap3A = arith.constant 0 : index
    %swap3A_12 = tpu.vector_load %arg8[%swap3A] {strides = array<i32>} : memref<128xi32, #tpu.memory_space<vmem>>, vector<16xi32>,
    %swap3A_13 = vector.shape_cast %swap3A_12 : vector<16xi32> to vector<16xi32>
    %swap3A_14 = vector.shape_cast %add3A_11 : vector<16xi32> to vector<16xi32>
    tpu.vector_store %arg8[%swap3A], %swap3A_14 {strides = array<i32>} : memref<128xi32, #tpu.memory_space<vmem>>, vector<16xi32>,
    %get3A_15 = arith.constant 16 : index
    %get3A_16 = tpu.vector_load %arg6[%get3A_15] {strides = array<i32>} : memref<128xi32, #tpu.memory_space<vmem>>, vector<16xi32>,
    %get3A_17 = vector.shape_cast %get3A_16 : vector<16xi32> to vector<16xi32>
    %mul3A_18 = arith.constant 15 : i32
    %mul3A_19 = vector.broadcast %mul3A_18 : i32 to vector<16xi32>
    %mul3A_20 = arith.muli %get3A_17, %mul3A_19 : vector<16xi32>
    %get3A_21 = arith.constant 16 : index
    %get3A_22 = tpu.vector_load %arg7[%get3A_21] {strides = array<i32>} : memref<128xi32, #tpu.memory_space<vmem>>, vector<16xi32>,
    %get3A_23 = vector.shape_cast %get3A_22 : vector<16xi32> to vector<16xi32>
    %add3A_24 = arith.addi %mul3A_20, %get3A_23 : vector<16xi32>
    %swap3A_25 = arith.constant 16 : index
    %swap3A_26 = tpu.vector_load %arg8[%swap3A_25] {strides = array<i32>} : memref<128xi32, #tpu.memory_space<vmem>>, vector<16xi32>,
    %swap3A_27 = vector.shape_cast %swap3A_26 : vector<16xi32> to vector<16xi32>
    %swap3A_28 = vector.shape_cast %add3A_24 : vector<16xi32> to vector<16xi32>
    tpu.vector_store %arg8[%swap3A_25], %swap3A_28 {strides = array<i32>} : memref<128xi32, #tpu.memory_space<vmem>>, vector<16xi32>,
    %get3A_29 = arith.constant 32 : index
    %get3A_30 = tpu.vector_load %arg6[%get3A_29] {strides = array<i32>} : memref<128xi32, #tpu.memory_space<vmem>>, vector<16xi32>,
    %get3A_31 = vector.shape_cast %get3A_30 : vector<16xi32> to vector<16xi32>
    %mul3A_32 = arith.constant 15 : i32
    %mul3A_33 = vector.broadcast %mul3A_32 : i32 to vector<16xi32>
    %mul3A_34 = arith.muli %get3A_31, %mul3A_33 : vector<16xi32>
    %get3A_35 = arith.constant 32 : index
    %get3A_36 = tpu.vector_load %arg7[%get3A_35] {strides = array<i32>} : memref<128xi32, #tpu.memory_space<vmem>>, vector<16xi32>,
    %get3A_37 = vector.shape_cast %get3A_36 : vector<16xi32> to vector<16xi32>
    %add3A_38 = arith.addi %mul3A_34, %get3A_37 : vector<16xi32>
    %swap3A_39 = arith.constant 32 : index
    %swap3A_40 = tpu.vector_load %arg8[%swap3A_39] {strides = array<i32>} : memref<128xi32, #tpu.memory_space<vmem>>, vector<16xi32>,
    %swap3A_41 = vector.shape_cast %swap3A_40 : vector<16xi32> to vector<16xi32>
    %swap3A_42 = vector.shape_cast %add3A_38 : vector<16xi32> to vector<16xi32>
    tpu.vector_store %arg8[%swap3A_39], %swap3A_42 {strides = array<i32>} : memref<128xi32, #tpu.memory_space<vmem>>, vector<16xi32>,
    %get3A_43 = arith.constant 48 : index
    %get3A_44 = tpu.vector_load %arg6[%get3A_43] {strides = array<i32>} : memref<128xi32, #tpu.memory_space<vmem>>, vector<16xi32>,
    %get3A_45 = vector.shape_cast %get3A_44 : vector<16xi32> to vector<16xi32>
    %mul3A_46 = arith.constant 15 : i32
    %mul3A_47 = vector.broadcast %mul3A_46 : i32 to vector<16xi32>
    %mul3A_48 = arith.muli %get3A_45, %mul3A_47 : vector<16xi32>
    %get3A_49 = arith.constant 48 : index
    %get3A_50 = tpu.vector_load %arg7[%get3A_49] {strides = array<i32>} : memref<128xi32, #tpu.memory_space<vmem>>, vector<16xi32>,
    %get3A_51 = vector.shape_cast %get3A_50 : vector<16xi32> to vector<16xi32>
    %add3A_52 = arith.addi %mul3A_48, %get3A_51 : vector<16xi32>
    %swap3A_53 = arith.constant 48 : index
    %swap3A_54 = tpu.vector_load %arg8[%swap3A_53] {strides = array<i32>} : memref<128xi32, #tpu.memory_space<vmem>>, vector<16xi32>,
    %swap3A_55 = vector.shape_cast %swap3A_54 : vector<16xi32> to vector<16xi32>
    %swap3A_56 = vector.shape_cast %add3A_52 : vector<16xi32> to vector<16xi32>
    tpu.vector_store %arg8[%swap3A_53], %swap3A_56 {strides = array<i32>} : memref<128xi32, #tpu.memory_space<vmem>>, vector<16xi32>,
    %get3A_57 = arith.constant 64 : index
    %get3A_58 = tpu.vector_load %arg6[%get3A_57] {strides = array<i32>} : memref<128xi32, #tpu.memory_space<vmem>>, vector<16xi32>,
    %get3A_59 = vector.shape_cast %get3A_58 : vector<16xi32> to vector<16xi32>
    %mul3A_60 = arith.constant 15 : i32
    %mul3A_61 = vector.broadcast %mul3A_60 : i32 to vector<16xi32>
    %mul3A_62 = arith.muli %get3A_59, %mul3A_61 : vector<16xi32>
    %get3A_63 = arith.constant 64 : index
    %get3A_64 = tpu.vector_load %arg7[%get3A_63] {strides = array<i32>} : memref<128xi32, #tpu.memory_space<vmem>>, vector<16xi32>,
    %get3A_65 = vector.shape_cast %get3A_64 : vector<16xi32> to vector<16xi32>
    %add3A_66 = arith.addi %mul3A_62, %get3A_65 : vector<16xi32>
    %swap3A_67 = arith.constant 64 : index
    %swap3A_68 = tpu.vector_load %arg8[%swap3A_67] {strides = array<i32>} : memref<128xi32, #tpu.memory_space<vmem>>, vector<16xi32>,
    %swap3A_69 = vector.shape_cast %swap3A_68 : vector<16xi32> to vector<16xi32>
    %swap3A_70 = vector.shape_cast %add3A_66 : vector<16xi32> to vector<16xi32>
    tpu.vector_store %arg8[%swap3A_67], %swap3A_70 {strides = array<i32>} : memref<128xi32, #tpu.memory_space<vmem>>, vector<16xi32>,
    %get3A_71 = arith.constant 80 : index
    %get3A_72 = tpu.vector_load %arg6[%get3A_71] {strides = array<i32>} : memref<128xi32, #tpu.memory_space<vmem>>, vector<16xi32>,
    %get3A_73 = vector.shape_cast %get3A_72 : vector<16xi32> to vector<16xi32>
    %mul3A_74 = arith.constant 15 : i32
    %mul3A_75 = vector.broadcast %mul3A_74 : i32 to vector<16xi32>
    %mul3A_76 = arith.muli %get3A_73, %mul3A_75 : vector<16xi32>
    %get3A_77 = arith.constant 80 : index
    %get3A_78 = tpu.vector_load %arg7[%get3A_77] {strides = array<i32>} : memref<128xi32, #tpu.memory_space<vmem>>, vector<16xi32>,
    %get3A_79 = vector.shape_cast %get3A_78 : vector<16xi32> to vector<16xi32>
    %add3A_80 = arith.addi %mul3A_76, %get3A_79 : vector<16xi32>
    %swap3A_81 = arith.constant 80 : index
    %swap3A_82 = tpu.vector_load %arg8[%swap3A_81] {strides = array<i32>} : memref<128xi32, #tpu.memory_space<vmem>>, vector<16xi32>,
    %swap3A_83 = vector.shape_cast %swap3A_82 : vector<16xi32> to vector<16xi32>
    %swap3A_84 = vector.shape_cast %add3A_80 : vector<16xi32> to vector<16xi32>
    tpu.vector_store %arg8[%swap3A_81], %swap3A_84 {strides = array<i32>} : memref<128xi32, #tpu.memory_space<vmem>>, vector<16xi32>,
    %get3A_85 = arith.constant 96 : index
    %get3A_86 = tpu.vector_load %arg6[%get3A_85] {strides = array<i32>} : memref<128xi32, #tpu.memory_space<vmem>>, vector<16xi32>,
    %get3A_87 = vector.shape_cast %get3A_86 : vector<16xi32> to vector<16xi32>
    %mul3A_88 = arith.constant 15 : i32
    %mul3A_89 = vector.broadcast %mul3A_88 : i32 to vector<16xi32>
    %mul3A_90 = arith.muli %get3A_87, %mul3A_89 : vector<16xi32>
    %get3A_91 = arith.constant 96 : index
    %get3A_92 = tpu.vector_load %arg7[%get3A_91] {strides = array<i32>} : memref<128xi32, #tpu.memory_space<vmem>>, vector<16xi32>,
    %get3A_93 = vector.shape_cast %get3A_92 : vector<16xi32> to vector<16xi32>
    %add3A_94 = arith.addi %mul3A_90, %get3A_93 : vector<16xi32>
    %swap3A_95 = arith.constant 96 : index
    %swap3A_96 = tpu.vector_load %arg8[%swap3A_95] {strides = array<i32>} : memref<128xi32, #tpu.memory_space<vmem>>, vector<16xi32>,
    %swap3A_97 = vector.shape_cast %swap3A_96 : vector<16xi32> to vector<16xi32>
    %swap3A_98 = vector.shape_cast %add3A_94 : vector<16xi32> to vector<16xi32>
    tpu.vector_store %arg8[%swap3A_95], %swap3A_98 {strides = array<i32>} : memref<128xi32, #tpu.memory_space<vmem>>, vector<16xi32>,
    %get3A_99 = arith.constant 112 : index
    %get3A_100 = tpu.vector_load %arg6[%get3A_99] {strides = array<i32>} : memref<128xi32, #tpu.memory_space<vmem>>, vector<16xi32>,
    %get3A_101 = vector.shape_cast %get3A_100 : vector<16xi32> to vector<16xi32>
    %mul3A_102 = arith.constant 15 : i32
    %mul3A_103 = vector.broadcast %mul3A_102 : i32 to vector<16xi32>
    %mul3A_104 = arith.muli %get3A_101, %mul3A_103 : vector<16xi32>
    %get3A_105 = arith.constant 112 : index
    %get3A_106 = tpu.vector_load %arg7[%get3A_105] {strides = array<i32>} : memref<128xi32, #tpu.memory_space<vmem>>, vector<16xi32>,
    %get3A_107 = vector.shape_cast %get3A_106 : vector<16xi32> to vector<16xi32>
    %add3A_108 = arith.addi %mul3A_104, %get3A_107 : vector<16xi32>
    %swap3A_109 = arith.constant 112 : index
    %swap3A_110 = tpu.vector_load %arg8[%swap3A_109] {strides = array<i32>} : memref<128xi32, #tpu.memory_space<vmem>>, vector<16xi32>,
    %swap3A_111 = vector.shape_cast %swap3A_110 : vector<16xi32> to vector<16xi32>
    %swap3A_112 = vector.shape_cast %add3A_108 : vector<16xi32> to vector<16xi32>
    tpu.vector_store %arg8[%swap3A_109], %swap3A_112 {strides = array<i32>} : memref<128xi32, #tpu.memory_space<vmem>>, vector<16xi32>,
    %dma_start3A = arith.constant 0 : i32
    %dma_start3A_113 = arith.constant 0 : i32
    %dma_start3A_114 = tpu.memref_slice %arg2[%dma_start3A, %dma_start3A_113] : memref<225x64xf32, #tpu.memory_space<hbm>> -> memref<225x64xf32, #tpu.memory_space<hbm>>
    tpu.enqueue_indirect_dma source(%dma_start3A_114 : memref<225x64xf32, #tpu.memory_space<hbm>>) target(%arg9 : memref<128x64xf32, #tpu.memory_space<vmem>>) offsets(%arg8 : memref<128xi32, #tpu.memory_space<vmem>>) semaphore(%arg10 : memref<!tpu.dma_semaphore, #tpu.memory_space<semaphore_mem>>)
    %dma_wait3A = arith.constant 0 : i32
    %dma_wait3A_115 = arith.constant 0 : i32
    %dma_wait3A_116 = tpu.memref_slice %arg2[%dma_wait3A, %dma_wait3A_115] : memref<225x64xf32, #tpu.memory_space<hbm>> -> memref<225x64xf32, #tpu.memory_space<hbm>>
    tpu.wait_indirect_dma semaphore(%arg10 : memref<!tpu.dma_semaphore, #tpu.memory_space<semaphore_mem>>) src(%dma_wait3A_116 : memref<225x64xf32, #tpu.memory_space<hbm>>) dst(%arg9 : memref<128x64xf32, #tpu.memory_space<vmem>>)
    "tpu.region"() ({
      %run_scoped3A = tpu.sem_alloc : memref<!tpu.dma_semaphore, #tpu.memory_space<semaphore_mem>>
      %dma_start3A_117 = arith.constant 0 : i32
      %dma_start3A_118 = tpu.memref_slice %arg5[%mul3A_2, %dma_start3A_117] : memref<4096x64xf32, #tpu.memory_space<hbm>> -> memref<128x64xf32, #tpu.memory_space<hbm>>
      %dma_start3A_119 = arith.constant 0 : i32
      %dma_start3A_120 = tpu.memref_slice %arg5[%mul3A_2, %dma_start3A_119] : memref<4096x64xf32, #tpu.memory_space<hbm>> -> memref<128x64xf32, #tpu.memory_space<hbm>>
      tpu.enqueue_dma source(%arg9 : memref<128x64xf32, #tpu.memory_space<vmem>>) target(%dma_start3A_120 : memref<128x64xf32, #tpu.memory_space<hbm>>) target_semaphore(%run_scoped3A : memref<!tpu.dma_semaphore, #tpu.memory_space<semaphore_mem>>)
      %dma_wait3A_121 = arith.constant 0 : i32
      %dma_wait3A_122 = tpu.memref_slice %arg5[%mul3A_2, %dma_wait3A_121] : memref<4096x64xf32, #tpu.memory_space<hbm>> -> memref<128x64xf32, #tpu.memory_space<hbm>>
      %dma_wait3A_123 = arith.constant 0 : i32
      %dma_wait3A_124 = tpu.memref_slice %arg5[%mul3A_2, %dma_wait3A_123] : memref<4096x64xf32, #tpu.memory_space<hbm>> -> memref<128x64xf32, #tpu.memory_space<hbm>>
      tpu.wait_dma2 semaphore(%run_scoped3A : memref<!tpu.dma_semaphore, #tpu.memory_space<semaphore_mem>>) src(%arg9 : memref<128x64xf32, #tpu.memory_space<vmem>>) dst(%dma_wait3A_124 : memref<128x64xf32, #tpu.memory_space<hbm>>)
      tpu.yield
    }) : () -> ()
    return
  }
}

</mosaic_0001>

<sc_bundles>
// kernel: kernel.3.cloned.1.call-start
scs
__scs_entry_jumppad:
0x0: {  	(pc) =	sbr.rel $0x88, $3  }
0x1: {  	(tag) =	ssettag $0x0;
	lr =	simm.s32 $0x1  }
0x2: {  	[smem:$0x3F9E] =	sst lr;
	_ =	strace $0xD0000000  }
0x3: {  	_ = 	snop  }
0x4: {  	_ = 	snop  }
0x5: {  	_ = 	snop  }
0x6: {  	_ = 	snop  }
0x7: {  	_ = 	snop  }
__scs_overlays_trampoline_lowered:
0x8: {  	[smem:$0x3FAD] =	sst s0  }
0x9: {  	[smem:$0x3FAE] =	sst s1  }
0xa: {  	[smem:$0x3FAF] =	sst s2  }
0xb: {  	[smem:$0x3FB0] =	sst s3  }
0xc: {  	[smem:$0x3FB1] =	sst s4  }
0xd: {  	[smem:$0x3FB2] =	sst s5  }
0xe: {  	[smem:$0x3FB3] =	sst s6  }
0xf: {  	[smem:$0x3FB4] =	sst s7  }
0x10: {  	[smem:$0x3FB5] =	sst s8  }
0x11: {  	[smem:$0x3FB6] =	sst s9;
	s0 =	simm.s32 @!p0 $0x0  }
0x12: {  	s1 =	sld [smem:$0x3F9C];
	s0 =	simm.s32 @p0 $0x1  }
0x13: {  	[smem:$0x3FB7] =	sst s0;
	s0 =	simm.s32 @!p1 $0x0  }
0x14: {  	s2 =	sld [smem:$0x3F9B];
	s0 =	simm.s32 @p1 $0x1  }
0x15: {  	[smem:$0x3FB8] =	sst s0;
	s0 =	simm.s32 @!p2 $0x0  }
0x16: {  	s3 =	sld [smem:$0x3FDB];
	s0 =	simm.s32 @p2 $0x1  }
0x17: {  	s4 =	simm.s32 $0x1BF5;
	[smem:$0x3FBA] =	sst s0  }
0x18: {  	s0 =	sld [smem:$0x3F9D];
	_ =	swait.ge [sflag:s4], $0x0  }
0x19: {  	s7 =	sld [smem:$0x3F9E]  }
0x1a: {  	s8 =	sadd.s32 $0xFFFFE003, lr  }
0x1b: {  	s9 =	sadd.s32 $0xFFFFFEF7, lr;
	s5 =	simm.s32 $0xFFFFFFFF;
	p2 =	slt.u32 s8, $0xFFFFF086  }
0x1c: {  	p1 =	slt.u32 s9, $0xF7A;
	s5 =	simm.s32 @!p2 $0x0  }
0x1d: {  	s5 =	simm.s32 @p1 $0x1;
	p0 =	seq.s32 s7, s2  }
0x1e: {  	s7 =	smul.u32 @!p0 $0xF7A, s2;
	p2 =	seq.s32 @!p0 s5, $0x0  }
0x1f: {  	s9 =	smul.u32 $0xF7A, s1;
	s8 =	simm.s32 @!p0 $0x1BF5;
	p2 =	por !p2, p0  }
0x20: {  	[sflag:s8] =	ssyncset.s32 @!p0 $0xFFFFF086;
	s6 =	sadd.s32 @!p0 s3, s7;
	s7 =	simm.s32 @!p0 $0x108  }
0x21: {  	s3 =	sadd.s32 s3, s9;
	s6 =	sadd.s32 @!p0 $0x88, s6;
	s7 =	simm.s32 @p2 $0x1082  }
0x22: {  	[simem:s7], [sflag:s8] =	dma.local @!p0 [hbm:s6], $0xF7A  }
0x23: {  	s9 =	sor.u32 $0xD0000000, s2;
	s6 =	simm.s32 $0x108;
	_ =	swait.ge @!p0 [sflag:s8], $0x0  }
0x24: {  	s3 =	sadd.s32 $0x88, s3;
	s6 =	simm.s32 @!p1 $0x1082;
	[sflag:s4] =	ssyncset.s32 $0xFFFFF086  }
0x25: {  	[simem:s6], [sflag:s4] =	dma.local [hbm:s3], $0xF7A  }
0x26: {  	[smem:$0x3F9E] =	sst s1;
	(tag) =	ssettag s2;
	_ =	strace s9  }
0x27: {  	s1 =	sld [smem:$0x3FAE]  }
0x28: {  	s2 =	sld [smem:$0x3FAF]  }
0x29: {  	s4 =	sld [smem:$0x3FB1]  }
0x2a: {  	p0 =	seq.s32 s5, $0x0;
	s5 =	sld [smem:$0x3FB2]  }
0x2b: {  	s6 =	sld [smem:$0x3FB3]  }
0x2c: {  	s7 =	sld [smem:$0x3FB4]  }
0x2d: {  	s3 =	simm.s32 $0x108;
	s8 =	sld [smem:$0x3FB5]  }
0x2e: {  	s3 =	simm.s32 @!p0 $0x1082;
	s9 =	sld [smem:$0x3FB6]  }
0x2f: {  	lr =	sadd.s32 s0, s3;
	s0 =	sld [smem:$0x3FAD]  }
0x30: {  	s3 =	sld [smem:$0x3FB0]  }
0x31: {  	[smem:$0x3FB9] =	sst s10  }
0x32: {  	s10 =	sld [smem:$0x3FB7];
	_ =	sdelay $0x3  }
0x33: {  	p0 =	seq.s32 s10, $0x1;
	s10 =	sld [smem:$0x3FB9];
	_ =	sdelay $0x3  }
0x34: {  	[smem:$0x3FB9] =	sst s10  }
0x35: {  	s10 =	sld [smem:$0x3FB8];
	_ =	sdelay $0x3  }
0x36: {  	p1 =	seq.s32 s10, $0x1;
	s10 =	sld [smem:$0x3FB9];
	_ =	sdelay $0x3  }
0x37: {  	[smem:$0x3FB9] =	sst s10  }
0x38: {  	s10 =	sld [smem:$0x3FBA]  }
0x39: {  	_ = 	snop;
	(pc) =	sbr.ind lr, $3  }
0x3a: {  	_ = 	snop  }
0x3b: {  	_ = 	snop  }
0x3c: {  	p2 =	seq.s32 s10, $0x1;
	s10 =	sld [smem:$0x3FB9]  }
0x3d: {  	_ =	shalt  }
0x3e: {  	_ =	shalt  }
0x3f: {  	_ =	shalt  }
0x40: {  	_ =	shalt  }
0x41: {  	_ =	shalt  }
0x42: {  	_ =	shalt  }
0x43: {  	_ =	shalt  }
0x44: {  	_ =	shalt  }
0x45: {  	_ =	shalt  }
0x46: {  	_ =	shalt  }
0x47: {  	_ =	shalt  }
0x48: {  	_ =	shalt  }
0x49: {  	_ =	shalt  }
0x4a: {  	_ =	shalt  }
0x4b: {  	_ =	shalt  }
0x4c: {  	_ =	shalt  }
0x4d: {  	_ =	shalt  }
0x4e: {  	_ =	shalt  }
0x4f: {  	_ =	shalt  }
0x50: {  	_ =	shalt  }
0x51: {  	_ =	shalt  }
0x52: {  	_ =	shalt  }
0x53: {  	_ =	shalt  }
0x54: {  	_ =	shalt  }
0x55: {  	_ =	shalt  }
0x56: {  	_ =	shalt  }
0x57: {  	_ =	shalt  }
0x58: {  	_ =	shalt  }
0x59: {  	_ =	shalt  }
0x5a: {  	_ =	shalt  }
0x5b: {  	_ =	shalt  }
0x5c: {  	_ =	shalt  }
0x5d: {  	_ =	shalt  }
0x5e: {  	_ =	shalt  }
0x5f: {  	_ =	shalt  }
0x60: {  	_ =	shalt  }
0x61: {  	_ =	shalt  }
0x62: {  	_ =	shalt  }
0x63: {  	_ =	shalt  }
0x64: {  	_ =	shalt  }
0x65: {  	_ =	shalt  }
0x66: {  	_ =	shalt  }
0x67: {  	_ =	shalt  }
0x68: {  	_ =	shalt  }
0x69: {  	_ =	shalt  }
0x6a: {  	_ =	shalt  }
0x6b: {  	_ =	shalt  }
0x6c: {  	_ =	shalt  }
0x6d: {  	_ =	shalt  }
0x6e: {  	_ =	shalt  }
0x6f: {  	_ =	shalt  }
0x70: {  	_ =	shalt  }
0x71: {  	_ =	shalt  }
0x72: {  	_ =	shalt  }
0x73: {  	_ =	shalt  }
0x74: {  	_ =	shalt  }
0x75: {  	_ =	shalt  }
0x76: {  	_ =	shalt  }
0x77: {  	_ =	shalt  }
0x78: {  	_ =	shalt  }
0x79: {  	_ =	shalt  }
0x7a: {  	_ =	shalt  }
0x7b: {  	_ =	shalt  }
0x7c: {  	_ =	shalt  }
0x7d: {  	_ =	shalt  }
0x7e: {  	_ =	shalt  }
0x7f: {  	_ =	shalt  }
0x80: {  	_ =	shalt  }
0x81: {  	_ =	shalt  }
0x82: {  	_ =	shalt  }
0x83: {  	_ =	shalt  }
0x84: {  	_ =	shalt  }
0x85: {  	_ =	shalt  }
0x86: {  	_ =	shalt  }
0x87: {  	_ =	shalt  }
.Lfunc_end0:
.L_simem_size_0:
called_computation_lowered:
.L_overlay_start_0:
0x88: {  	s2 =	sld [smem:$0x3FD9]  }
0x89: {  	s3 =	sld [smem:$0x3FFE];
	_ =	sdelay $0x1  }
0x8a: {  	s1 =	srdreg.scid  }
0x8b: {  	s0 =	sand.u32 $0x1, s1  }
0x8c: {  	s17 =	sshll.u32 s0, $0xA;
	s2 =	sadd.s32 s3, s2  }
0x8d: {  	s2 =	sadd.s32 s2, s17  }
0x8e: {  	[smem:$0x3FC5] =	sst s2  }
0x8f: {  	_ = 	snop  }
0x90: {  	s2 =	sld [smem:$0x3FD0];
	(tm) =	ssettm $0x1  }
0x91: {  	s18 =	sld [smem:$0x3FFB];
	_ =	sdelay $0x3  }
0x92: {  	_ =	strace s18  }
0x93: {  	s3 =	sld [smem:$0x3FFC];
	_ =	sdelay $0x3  }
0x94: {  	_ =	strace s3  }
0x95: {  	s3 =	sld [smem:$0x3FFD];
	_ =	sdelay $0x3  }
0x96: {  	_ =	strace s3  }
0x97: {  	_ =	strace $0x8FFFFFFF  }
0x98: {  	s19 =	sld [smem:$0x3FDB];
	_ =	sdelay $0x1  }
0x99: {  	s4 =	simm.s32 $_scs_section_size  }
0x9a: {  	s5 =	simm.s32 $_size__tile_overlayer_lowered;
	s6 =	simm.s32 $_tile_overlayer_lowered  }
0x9b: {  	s22 =	simm.s32 $0x1BFF;
	s21 =	sshll.u32 s6, $0x1;
	s3 =	sadd.s32 s4, s19  }
0x9c: {  	s7 =	simm.s32 $0x0;
	s20 =	sshll.u32 s5, $0x1;
	s5 =	sadd.s32 s21, s3  }
0x9d: {  	[timem:s7], [sflag:s22] =	dma.local [hbm:s5], s20  }
0x9e: {  	_ =	swait.ge [sflag:s22], s20  }
0x9f: {  	s4 =	ssub.s32 $0x0, s20;
	[sflag:s22] =	ssyncset.done $0x0  }
0xa0: {  	[sflag:s22] =	ssyncadd.s32 s4;
	_ =	sdelay $0x1  }
0xa1: {  	s23 =	simm.s32 $0x1B8B  }
0xa2: {  	_ =	swait.ge [sflag:s23], $0x1  }
0xa3: {  	[sflag:s23] =	ssyncset.done $0x0  }
0xa4: {  	s25 =	simm.s32 $0x1B8E;
	s24 =	sld [smem:$0x3FFE];
	[sflag:s23] =	ssyncadd.s32 $0xFFFFFFFF  }
0xa5: {  	s26 =	simm.s32 $execute0_lowered;
	[smem:$0x3FD2] =	sst s25  }
0xa6: {  	s5 =	sshll.u32 s26, $0x1;
	_ =	strace $0x80000046;
	[dreg:$0x1] =	wrdreg $0xFFFFFFFF  }
0xa7: {  	s28 =	simm.s32 $_size_execute0_lowered;
	s3 =	sadd.s32 s3, s5;
	[dreg:$0x0] =	wrdreg $0x0  }
0xa8: {  	s5 =	sshll.u32 s28, $0x1;
	[dreg:$0x2] =	wrdreg s3  }
0xa9: {  	[dreg:$0x3] =	wrdreg s5  }
0xaa: {  	[dreg:$0x4] =	wrdreg $0xC0  }
0xab: {  	_ =	task [dreg:s7], $0x5FFFF  }
0xac: {  	[dreg:$0x1] =	wrdreg $0xFFFFFFFF  }
0xad: {  	[dreg:$0x0] =	wrdreg $0x60  }
0xae: {  	[dreg:$0x2] =	wrdreg s2  }
0xaf: {  	[dreg:$0x3] =	wrdreg s24  }
0xb0: {  	[dreg:$0x4] =	wrdreg $0x9  }
0xb1: {  	_ =	task.clear_ibuf [dreg:s7], $0x5FFFF;
	_ =	strace $0x90000046  }
0xb2: {  	s29 =	simm.s32 $0x9;
	_ =	strace $0x80000048  }
0xb3: {  	_ =	swait.ge [sflag:s29], $0x1  }
0xb4: {  	[sflag:s29] =	ssyncadd.s32 $0xFFFFFFFF  }
0xb5: {  	_ =	strace $0x90000048  }
0xb6: {  	_ =	sfence  }
0xb7: {  	s30 =	sld [smem:$0x0];
	_ =	sdelay $0x2  }
0xb8: {  	s31 =	sshll.u32 s1, $0xD;
	s1 =	sshrl.u32 s1, $0x2  }
0xb9: {  	s3 =	sand.u32 $0x4000, s31;
	s1 =	sadd.s32 s1, s30  }
0xba: {  	s0 =	sor.u32 s3, s0;
	s1 =	sshll.u32 s1, $0x11  }
0xbb: {  	s0 =	sor.u32 s1, s0  }
0xbc: {  	s0 =	sadd.s32 $0x8F2B, s0  }
0xbd: {  	[sflag:s0] =	ssyncadd.remote.s32 $0x1  }
0xbe: {  	_ =	sfence.sel $0xFFFF  }
0xbf: {  	[dreg:$0x0] =	wrdreg $0xFFFFFFFF;
	(pc) =	sbr.abs _section_cstart, $3  }
0xc0: {  	[dreg:$0x1] =	wrdreg $0xFFFFFFFF  }
0xc1: {  	_ =	task.clear_ibuf [dreg:s7], $0x2FFFF;
	_ =	strace $0x9FFFFFFF  }
0xc2: {  	(tm) =	ssettm $0x7FFFFFFF  }
0xc3: {  	_ =	shalt  }
tec
execute0_lowered:
.L_overlay_start_1:
0x0: {  	(tag) =	ssettag $0x1  }
0x1: {  	s5 =	srdreg.scid  }
0x2: {  	s1 =	stileid.u32;
	s5 =	sand.u32 $0x1, s5  }
0x3: {  	s6 =	sshll.u32 s1, $0x8;
	s7 =	sshll.u32 s5, $0x7  }
0x4: {  	s4 =	rddreg [dreg:$0x1];
	s5 =	ssub.s32 $0x2, s5;
	s6 =	sor.u32 s7, s6  }
0x5: {  	s31 =	sshrl.u32 s5, $0x1;
	s7 =	sshrl.u32 s6, $0x3;
	s6 =	sshll.u32 s6, $0x3  }
0x6: {  	s7 =	sadd.s32 s7, s4;
	s4 =	sadd.s32 s6, s4;
	s6 =	ssub.s32 s5, s31  }
0x7: {  	s2 =	rddreg [dreg:$0x0];
	s12 =	smax.u32 s6, $0x1  }
0x8: {  	s0 =	rddreg [dreg:$0x2];
	s3 =	simm.s32 $0x0;
	p0 =	sne.s32 s12, $0x1  }
.Ltmp0:
0x9: {  	s8 =	simm.s32 $0x100;
	[smem:$0x7FF] =	sst s3;
	(pc) =	sbr.rel @!p0 .LBB2_2-.Ltmp0, $4  }
0xa: {  	s9 =	simm.s32 $0x1;
	_ =	strace $0x80000047;
	s11 =	sadd.s32 $0x400, s7  }
0xb: {  	s10 =	sadd.s32 $0x600, s7;
	s5 =	sadd.s32 $0x800, s4;
	s4 =	simm.s32 $0x2  }
0xc: {  	[tilespmem:s3], [sflag:$0x2] =	stream.linear.gather [hbm4b:s11+s3], $0x80, $0x38;
	[tilespmem:$0x2180] =	vst v63  }
0xd: {  	s7 =	simm.s32 $0x80;
	s6 =	simm.s32 $0x180;
	s12 =	sadd.s32 $0xFFFFFFFF, s12  }
.LBB2_1:
0xe: {  	p0 =	sne.s32 s12, $0x1;
	s12 =	sadd.s32 $0xFFFFFFFF, s12;
	_ =	swait.ge [sflag:s4], $0x80  }
0xf: {  	[sflag:s4] =	ssyncset.done $0x0  }
0x10: {  	[sflag:s4] =	ssyncadd.s32 $0xFFFFFF80  }
0x11: {  	[tilespmem:s7], [sflag:$0x2] =	stream.linear.gather [hbm4b:s10+s3], $0x80, $0x38;
	[tilespmem:$0x2180] =	vst v63  }
0x12: {  	_ =	swait.ge [sflag:s4], $0x80  }
0x13: {  	[sflag:s4] =	ssyncset.done $0x0  }
0x14: {  	[sflag:s4] =	ssyncadd.s32 $0xFFFFFF80  }
0x15: {  	v0 =	vld [tilespmem:$0xE0]  }
0x16: {  	v1 =	vld [tilespmem:$0xC0]  }
0x17: {  	v2 =	vld [tilespmem:$0xF0]  }
0x18: {  	v3 =	vld [tilespmem:$0x90]  }
0x19: {  	v4 =	vld [tilespmem:$0x60]  }
0x1a: {  	v5 =	vld [tilespmem:$0xA0]  }
0x1b: {  	v6 =	vld [tilespmem:$0xB0]  }
0x1c: {  	v7 =	vld [tilespmem:$0x30]  }
0x1d: {  	v8 =	vld [tilespmem:$0x20]  }
0x1e: {  	v4 =	vmul.u32 $0xF, v4;
	v9 =	vld [tilespmem:$0x70]  }
0x1f: {  	v10 =	vld [tilespmem:$0x10]  }
0x20: {  	v11 =	vld [tilespmem:$0x40];
	v0 =	vadd.s32 v0, v4  }
0x21: {  	v4 =	vmul.u32 $0xF, v7;
	v7 =	vld [tilespmem:$0x50];
	[tilespmem:$0x160] =	vst v0  }
0x22: {  	v0 =	vld [tilespmem:$0x0];
	v8 =	vmul.u32 $0xF, v8  }
0x23: {  	v4 =	vadd.s32 v6, v4;
	v6 =	vld [tilespmem:$0xD0];
	v9 =	vmul.u32 $0xF, v9  }
0x24: {  	v12 =	vld [tilespmem:$0x80];
	v10 =	vmul.u32 $0xF, v10;
	v5 =	vadd.s32 v5, v8;
	[tilespmem:$0x130] =	vst v4  }
0x25: {  	[tilespmem:$0x120] =	vst v5;
	v4 =	vmul.u32 $0xF, v11;
	v2 =	vadd.s32 v2, v9  }
0x26: {  	v3 =	vadd.s32 v3, v10;
	v5 =	vmul.u32 $0xF, v7;
	[tilespmem:$0x170] =	vst v2  }
0x27: {  	v0 =	vmul.u32 $0xF, v0;
	[tilespmem:$0x110] =	vst v3;
	v1 =	vadd.s32 v1, v4  }
0x28: {  	[tilespmem:$0x140] =	vst v1;
	v1 =	vadd.s32 v6, v5  }
0x29: {  	v0 =	vadd.s32 v12, v0;
	[tilespmem:$0x150] =	vst v1  }
0x2a: {  	[tilespmem:$0x100] =	vst v0  }
0x2b: {  	[tilespmem:s6], [sflag:$0x1] =	stream.indirect.gather [hbm4b:s2+s7], $0x40, s8, s7, $0xb8;
	[tilespmem:$0x2180] =	vst v63  }
0x2c: {  	_ =	swait.ge [sflag:s9], $0x2000  }
0x2d: {  	[sflag:s9] =	ssyncset.done $0x0  }
0x2e: {  	[sflag:s9] =	ssyncadd.s32 $0xFFFFE000  }
0x2f: {  	[hbm4b:s5+s3] =	stream.linear.scatter [tilespmem:s6], [sflag:$0x2], $0x2000, $0x38;
	[tilespmem:$0x2180] =	vst v63  }
.Ltmp1:
0x30: {  	_ = 	snop;
	(pc) =	sbr.rel @p0 .LBB2_1-.Ltmp1, $4  }
0x31: {  	_ =	swait.ge [sflag:s4], $0x2000  }
0x32: {  	[sflag:s4] =	ssyncset.done $0x0  }
0x33: {  	[sflag:s4] =	ssyncadd.s32 $0xFFFFE000  }
0x34: {  	[tilespmem:s3], [sflag:$0x2] =	stream.linear.gather [hbm4b:s11+s3], $0x80, $0x38;
	[tilespmem:$0x2180] =	vst v63  }
.LBB2_2:
0x35: {  	_ =	swait.ge [sflag:s4], $0x80  }
0x36: {  	[sflag:s4] =	ssyncset.done $0x0  }
0x37: {  	[sflag:s4] =	ssyncadd.s32 $0xFFFFFF80  }
0x38: {  	[tilespmem:s7], [sflag:$0x2] =	stream.linear.gather [hbm4b:s10+s3], $0x80, $0x38;
	[tilespmem:$0x2180] =	vst v63  }
0x39: {  	_ =	swait.ge [sflag:s4], $0x80  }
0x3a: {  	[sflag:s4] =	ssyncset.done $0x0  }
0x3b: {  	[sflag:s4] =	ssyncadd.s32 $0xFFFFFF80  }
0x3c: {  	v0 =	vld [tilespmem:$0xE0]  }
0x3d: {  	v2 =	vld [tilespmem:$0xF0]  }
0x3e: {  	v3 =	vld [tilespmem:$0x90]  }
0x3f: {  	v4 =	vld [tilespmem:$0x60]  }
0x40: {  	v5 =	vld [tilespmem:$0xA0]  }
0x41: {  	v6 =	vld [tilespmem:$0xB0]  }
0x42: {  	v7 =	vld [tilespmem:$0x30]  }
0x43: {  	v8 =	vld [tilespmem:$0x20]  }
0x44: {  	v9 =	vld [tilespmem:$0x70]  }
0x45: {  	v10 =	vld [tilespmem:$0x10]  }
0x46: {  	v11 =	vld [tilespmem:$0x40]  }
0x47: {  	v12 =	vld [tilespmem:$0x50];
	v4 =	vmul.u32 $0xF, v4  }
0x48: {  	v54 =	vld [tilespmem:$0x0];
	v7 =	vmul.u32 $0xF, v7  }
0x49: {  	v56 =	vld [tilespmem:$0xD0];
	v8 =	vmul.u32 $0xF, v8;
	v0 =	vadd.s32 v0, v4  }
0x4a: {  	v58 =	vld [tilespmem:$0x80];
	v57 =	vmul.u32 $0xF, v9;
	v55 =	vadd.s32 v6, v7;
	[tilespmem:$0x160] =	vst v0  }
0x4b: {  	v1 =	vld [tilespmem:$0xC0];
	v10 =	vmul.u32 $0xF, v10;
	v5 =	vadd.s32 v5, v8;
	[tilespmem:$0x130] =	vst v55  }
0x4c: {  	v60 =	vmul.u32 $0xF, v12;
	v2 =	vadd.s32 v2, v57;
	[tilespmem:$0x120] =	vst v5  }
0x4d: {  	v61 =	vmul.u32 $0xF, v54;
	v3 =	vadd.s32 v3, v10;
	[tilespmem:$0x170] =	vst v2  }
0x4e: {  	v59 =	vmul.u32 $0xF, v11;
	v62 =	vadd.s32 v56, v60;
	[tilespmem:$0x110] =	vst v3  }
0x4f: {  	v63 =	vadd.s32 v58, v61;
	[tilespmem:$0x150] =	vst v62  }
0x50: {  	v0 =	vadd.s32 v1, v59;
	[tilespmem:$0x100] =	vst v63  }
0x51: {  	[tilespmem:$0x140] =	vst v0  }
0x52: {  	[tilespmem:s6], [sflag:$0x1] =	stream.indirect.gather [hbm4b:s2+s7], $0x40, s8, s7, $0xb8;
	[tilespmem:$0x2180] =	vst v63  }
0x53: {  	_ =	swait.ge [sflag:s9], $0x2000  }
0x54: {  	[sflag:s9] =	ssyncset.done $0x0  }
0x55: {  	[sflag:s9] =	ssyncadd.s32 $0xFFFFE000  }
0x56: {  	[hbm4b:s5+s3] =	stream.linear.scatter [tilespmem:s6], [sflag:$0x2], $0x2000, $0x38;
	[tilespmem:$0x2180] =	vst v63  }
0x57: {  	_ =	swait.ge [sflag:s4], $0x2000  }
0x58: {  	[sflag:s4] =	ssyncset.done $0x0  }
0x59: {  	[sflag:s4] =	ssyncadd.s32 $0xFFFFE000  }
0x5a: {  	_ =	sfence.sel $0x180000  }
0x5b: {  	[bflag:$0x0] =	sbarrier.arrive $0xFFFF  }
0x5c: {  	p0 =	sne.s32 s1, $0x0;
	_ =	strace $0x90000047  }
0x5d: {  	s0 =	sadd.s32 @!p0 $0x100000, s0;
	[bflag:$0x2] =	sbarrier.arrive $0xFFFF  }
0x5e: {  	[sflag:s0] =	ssyncadd.tile.s32 @!p0 $0x1;
	_ =	shalt  }
.Lfunc_end2:
_tile_overlayer_lowered:
.L_overlay_start_2:
0x5f: {  	(tag) =	ssettag $0x2  }
0x60: {  	s0 =	rddreg [dreg:$0x0];
	s2 =	stileid.u32  }
0x61: {  	s1 =	rddreg [dreg:$0x1];
	p0 =	sne.s32 s2, $0x0  }
0x62: {  	s3 =	rddreg [dreg:$0x2];
	[bflag:$0x3] =	sbarrier.arrive $0xFFFF;
	s2 =	simm.s32 @!p0 $0x1C02  }
0x63: {  	[timem:s3], [sflag:s2] =	dma.local @!p0 [hbm:s0], s1  }
0x64: {  	s0 =	simm.s32 @!p0 $0x2  }
0x65: {  	_ =	swait.ge @!p0 [sflag:s0], s1  }
0x66: {  	s1 =	ssub.s32 @!p0 $0x0, s1;
	[sflag:s0] =	ssyncset.done @!p0 $0x0  }
0x67: {  	[sflag:s0] =	ssyncadd.s32 @!p0 s1  }
0x68: {  	[bflag:$0x3] =	sbarrier.arrive $0xFFFF  }
0x69: {  	_ =	shalt  }

</sc_bundles>
